<compile_context>
chip_gen: v7x
topology: tpu7x:2x2x1
jax: 0.10.2.dev20260603
libtpu: 0.0.44.dev20260713+nightly
codegen_flags: <defaults>
</compile_context>

<pallas_src>
import functools

import jax
import jax.numpy as jnp
from jax import lax
from jax.experimental import pallas as pl
from jax.experimental.pallas import tpu as pltpu
from jax.experimental.pallas import tpu_sc as plsc

QUEUE_ROWS = 32768
D = 128
ROWS_PER_TILE = 1024
CHUNK = 256
N_CHUNKS = ROWS_PER_TILE // CHUNK
NBUF = 2


def _copy_region(src_hbm, src_base, out_hbm, out_base, bufs, sems_in, sems_out):
    copies_in = []
    copies_out = []
    for c in range(N_CHUNKS):
        b = c % NBUF
        copies_in.append(pltpu.make_async_copy(
            src_hbm.at[pl.ds(src_base + c * CHUNK, CHUNK)], bufs[b], sems_in[b]))
        copies_out.append(pltpu.make_async_copy(
            bufs[b], out_hbm.at[pl.ds(out_base + c * CHUNK, CHUNK)], sems_out[b]))
    for c in range(NBUF):
        copies_in[c].start()
    for c in range(N_CHUNKS):
        copies_in[c].wait()
        copies_out[c].start()
        nxt = c + NBUF
        if nxt < N_CHUNKS:
            copies_out[c].wait()
            copies_in[nxt].start()
    for c in range(N_CHUNKS - NBUF, N_CHUNKS):
        copies_out[c].wait()


def _fifo_sc(x_hbm, q_hbm, out_hbm, buf0, buf1, si0, si1, so0, so1):
    nc = 2
    wid = lax.axis_index("s") * nc + lax.axis_index("c")
    out_base = wid * ROWS_PER_TILE
    shift = 4096
    n_q_tiles = (QUEUE_ROWS - shift) // ROWS_PER_TILE
    bufs = [buf0, buf1]
    sems_in = [si0, si1]
    sems_out = [so0, so1]

    @pl.when(wid < n_q_tiles)
    def _():
        _copy_region(q_hbm, out_base + shift, out_hbm, out_base,
                     bufs, sems_in, sems_out)

    @pl.when(wid >= n_q_tiles)
    def _():
        _copy_region(x_hbm, out_base - (QUEUE_ROWS - shift), out_hbm, out_base,
                     bufs, sems_in, sems_out)


def kernel(x, queue):
    mesh = plsc.VectorSubcoreMesh(core_axis_name="c", subcore_axis_name="s")
    k = functools.partial(
        pl.kernel,
        mesh=mesh,
        out_type=jax.ShapeDtypeStruct(queue.shape, queue.dtype),
        scratch_types=[
            pltpu.VMEM((CHUNK, D), jnp.float32),
            pltpu.VMEM((CHUNK, D), jnp.float32),
            pltpu.SemaphoreType.DMA,
            pltpu.SemaphoreType.DMA,
            pltpu.SemaphoreType.DMA,
            pltpu.SemaphoreType.DMA,
        ],
    )(_fifo_sc)
    return k(x, queue)

# --- scband reference (transcript-rebuilt; emitter-appended) ---
"""Pipeline reference for scband-queue-78941498900926 (READ-ONLY COPY).

The authoritative reference and input builder live on the scoring server;
editing this copy changes nothing except your own understanding.
"""

import jax, jax.numpy as jnp
import numpy as np

QUEUE_SIZE = 32768

def setup_inputs(seed: int = 0) -> dict:
    key = jax.random.key(seed)
    k1, k2 = jax.random.split(key)
    x = jax.random.normal(k1, (4096, 128), dtype=jnp.float32)
    # Steady-state queue buffer (registered buffer in the torch module after warmup).
    queue = jax.random.normal(k2, (QUEUE_SIZE, 128), dtype=jnp.float32)
    return {"x": x, "queue": queue}

def reference(x, queue):
    # Faithful translation of Queue.forward in the steady state:
    # queue = cat((queue, x))[-queue_size:]
    new_queue = jnp.concatenate((queue, x), axis=0)
    return new_queue[-QUEUE_SIZE:]

if __name__ == "__main__":
    import jax
    _d = setup_inputs()
    print(jax.jit(kernel)(*tuple(_d.values())))

</pallas_src>

<mosaic_0001>
#map = affine_map<(d0, d1) -> (0, 0)>
module attributes {stable_mosaic.version = 14 : i64} {
  func.func @_fifo_sc(%arg0: i32, %arg1: i32, %arg2: memref<4096x128xf32, #tpu.memory_space<hbm>>, %arg3: memref<32768x128xf32, #tpu.memory_space<hbm>>, %arg4: memref<32768x128xf32, #tpu.memory_space<hbm>>, %arg5: memref<256x128xf32, #tpu.memory_space<vmem>>, %arg6: memref<256x128xf32, #tpu.memory_space<vmem>>, %arg7: memref<!tpu.dma_semaphore, #tpu.memory_space<semaphore_mem>>, %arg8: memref<!tpu.dma_semaphore, #tpu.memory_space<semaphore_mem>>, %arg9: memref<!tpu.dma_semaphore, #tpu.memory_space<semaphore_mem>>, %arg10: memref<!tpu.dma_semaphore, #tpu.memory_space<semaphore_mem>>) attributes {dimension_semantics = [#tpu.dimension_semantics<core_parallel>, #tpu.dimension_semantics<subcore_parallel>], iteration_bounds = array<i64: 2, 16>, scalar_prefetch = 0 : i64, scratch_operands = 6 : i64, tpu.core_type = #tpu.core_type<sc_vector_subcore>, window_params = [{transform_indices = #map}, {transform_indices = #map}, {transform_indices = #map}]} {
    %mul3A = arith.constant 2 : i32
    %mul3A_0 = arith.muli %arg1, %mul3A : i32
    %add3A = arith.addi %mul3A_0, %arg0 : i32
    %mul3A_1 = arith.constant 1024 : i32
    %mul3A_2 = arith.muli %add3A, %mul3A_1 : i32
    %lt3A = arith.constant 28 : i32
    %lt3A_3 = arith.cmpi slt, %add3A, %lt3A : i32
    %convert_element_type3A = arith.extui %lt3A_3 : i1 to i32
    %cond3A = arith.constant 0 : i32
    %cond3A_4 = arith.cmpi ne, %convert_element_type3A, %cond3A : i32
    scf.if %cond3A_4 {
      %add3A_9 = arith.constant 4096 : i32
      %add3A_10 = arith.addi %mul3A_2, %add3A_9 : i32
      %add3A_11 = arith.constant 0 : i32
      %add3A_12 = arith.addi %add3A_10, %add3A_11 : i32
      %add3A_13 = arith.constant 0 : i32
      %add3A_14 = arith.addi %mul3A_2, %add3A_13 : i32
      %add3A_15 = arith.constant 256 : i32
      %add3A_16 = arith.addi %add3A_10, %add3A_15 : i32
      %add3A_17 = arith.constant 256 : i32
      %add3A_18 = arith.addi %mul3A_2, %add3A_17 : i32
      %add3A_19 = arith.constant 512 : i32
      %add3A_20 = arith.addi %add3A_10, %add3A_19 : i32
      %add3A_21 = arith.constant 512 : i32
      %add3A_22 = arith.addi %mul3A_2, %add3A_21 : i32
      %add3A_23 = arith.constant 768 : i32
      %add3A_24 = arith.addi %add3A_10, %add3A_23 : i32
      %add3A_25 = arith.constant 768 : i32
      %add3A_26 = arith.addi %mul3A_2, %add3A_25 : i32
      %dma_start3A = arith.constant 0 : i32
      %dma_start3A_27 = tpu.memref_slice %arg3[%add3A_12, %dma_start3A] : memref<32768x128xf32, #tpu.memory_space<hbm>> -> memref<256x128xf32, #tpu.memory_space<hbm>>
      %dma_start3A_28 = arith.constant 0 : i32
      %dma_start3A_29 = tpu.memref_slice %arg3[%add3A_12, %dma_start3A_28] : memref<32768x128xf32, #tpu.memory_space<hbm>> -> memref<256x128xf32, #tpu.memory_space<hbm>>
      tpu.enqueue_dma source(%dma_start3A_29 : memref<256x128xf32, #tpu.memory_space<hbm>>) target(%arg5 : memref<256x128xf32, #tpu.memory_space<vmem>>) target_semaphore(%arg7 : memref<!tpu.dma_semaphore, #tpu.memory_space<semaphore_mem>>)
      %dma_start3A_30 = arith.constant 0 : i32
      %dma_start3A_31 = tpu.memref_slice %arg3[%add3A_16, %dma_start3A_30] : memref<32768x128xf32, #tpu.memory_space<hbm>> -> memref<256x128xf32, #tpu.memory_space<hbm>>
      %dma_start3A_32 = arith.constant 0 : i32
      %dma_start3A_33 = tpu.memref_slice %arg3[%add3A_16, %dma_start3A_32] : memref<32768x128xf32, #tpu.memory_space<hbm>> -> memref<256x128xf32, #tpu.memory_space<hbm>>
      tpu.enqueue_dma source(%dma_start3A_33 : memref<256x128xf32, #tpu.memory_space<hbm>>) target(%arg6 : memref<256x128xf32, #tpu.memory_space<vmem>>) target_semaphore(%arg8 : memref<!tpu.dma_semaphore, #tpu.memory_space<semaphore_mem>>)
      %dma_wait3A = arith.constant 0 : i32
      %dma_wait3A_34 = tpu.memref_slice %arg3[%add3A_12, %dma_wait3A] : memref<32768x128xf32, #tpu.memory_space<hbm>> -> memref<256x128xf32, #tpu.memory_space<hbm>>
      %dma_wait3A_35 = arith.constant 0 : i32
      %dma_wait3A_36 = tpu.memref_slice %arg3[%add3A_12, %dma_wait3A_35] : memref<32768x128xf32, #tpu.memory_space<hbm>> -> memref<256x128xf32, #tpu.memory_space<hbm>>
      tpu.wait_dma2 semaphore(%arg7 : memref<!tpu.dma_semaphore, #tpu.memory_space<semaphore_mem>>) src(%dma_wait3A_36 : memref<256x128xf32, #tpu.memory_space<hbm>>) dst(%arg5 : memref<256x128xf32, #tpu.memory_space<vmem>>)
      %dma_start3A_37 = arith.constant 0 : i32
      %dma_start3A_38 = tpu.memref_slice %arg4[%add3A_14, %dma_start3A_37] : memref<32768x128xf32, #tpu.memory_space<hbm>> -> memref<256x128xf32, #tpu.memory_space<hbm>>
      %dma_start3A_39 = arith.constant 0 : i32
      %dma_start3A_40 = tpu.memref_slice %arg4[%add3A_14, %dma_start3A_39] : memref<32768x128xf32, #tpu.memory_space<hbm>> -> memref<256x128xf32, #tpu.memory_space<hbm>>
      tpu.enqueue_dma source(%arg5 : memref<256x128xf32, #tpu.memory_space<vmem>>) target(%dma_start3A_40 : memref<256x128xf32, #tpu.memory_space<hbm>>) target_semaphore(%arg9 : memref<!tpu.dma_semaphore, #tpu.memory_space<semaphore_mem>>)
      %dma_wait3A_41 = arith.constant 0 : i32
      %dma_wait3A_42 = tpu.memref_slice %arg4[%add3A_14, %dma_wait3A_41] : memref<32768x128xf32, #tpu.memory_space<hbm>> -> memref<256x128xf32, #tpu.memory_space<hbm>>
      %dma_wait3A_43 = arith.constant 0 : i32
      %dma_wait3A_44 = tpu.memref_slice %arg4[%add3A_14, %dma_wait3A_43] : memref<32768x128xf32, #tpu.memory_space<hbm>> -> memref<256x128xf32, #tpu.memory_space<hbm>>
      tpu.wait_dma2 semaphore(%arg9 : memref<!tpu.dma_semaphore, #tpu.memory_space<semaphore_mem>>) src(%arg5 : memref<256x128xf32, #tpu.memory_space<vmem>>) dst(%dma_wait3A_44 : memref<256x128xf32, #tpu.memory_space<hbm>>)
      %dma_start3A_45 = arith.constant 0 : i32
      %dma_start3A_46 = tpu.memref_slice %arg3[%add3A_20, %dma_start3A_45] : memref<32768x128xf32, #tpu.memory_space<hbm>> -> memref<256x128xf32, #tpu.memory_space<hbm>>
      %dma_start3A_47 = arith.constant 0 : i32
      %dma_start3A_48 = tpu.memref_slice %arg3[%add3A_20, %dma_start3A_47] : memref<32768x128xf32, #tpu.memory_space<hbm>> -> memref<256x128xf32, #tpu.memory_space<hbm>>
      tpu.enqueue_dma source(%dma_start3A_48 : memref<256x128xf32, #tpu.memory_space<hbm>>) target(%arg5 : memref<256x128xf32, #tpu.memory_space<vmem>>) target_semaphore(%arg7 : memref<!tpu.dma_semaphore, #tpu.memory_space<semaphore_mem>>)
      %dma_wait3A_49 = arith.constant 0 : i32
      %dma_wait3A_50 = tpu.memref_slice %arg3[%add3A_16, %dma_wait3A_49] : memref<32768x128xf32, #tpu.memory_space<hbm>> -> memref<256x128xf32, #tpu.memory_space<hbm>>
      %dma_wait3A_51 = arith.constant 0 : i32
      %dma_wait3A_52 = tpu.memref_slice %arg3[%add3A_16, %dma_wait3A_51] : memref<32768x128xf32, #tpu.memory_space<hbm>> -> memref<256x128xf32, #tpu.memory_space<hbm>>
      tpu.wait_dma2 semaphore(%arg8 : memref<!tpu.dma_semaphore, #tpu.memory_space<semaphore_mem>>) src(%dma_wait3A_52 : memref<256x128xf32, #tpu.memory_space<hbm>>) dst(%arg6 : memref<256x128xf32, #tpu.memory_space<vmem>>)
      %dma_start3A_53 = arith.constant 0 : i32
      %dma_start3A_54 = tpu.memref_slice %arg4[%add3A_18, %dma_start3A_53] : memref<32768x128xf32, #tpu.memory_space<hbm>> -> memref<256x128xf32, #tpu.memory_space<hbm>>
      %dma_start3A_55 = arith.constant 0 : i32
      %dma_start3A_56 = tpu.memref_slice %arg4[%add3A_18, %dma_start3A_55] : memref<32768x128xf32, #tpu.memory_space<hbm>> -> memref<256x128xf32, #tpu.memory_space<hbm>>
      tpu.enqueue_dma source(%arg6 : memref<256x128xf32, #tpu.memory_space<vmem>>) target(%dma_start3A_56 : memref<256x128xf32, #tpu.memory_space<hbm>>) target_semaphore(%arg10 : memref<!tpu.dma_semaphore, #tpu.memory_space<semaphore_mem>>)
      %dma_wait3A_57 = arith.constant 0 : i32
      %dma_wait3A_58 = tpu.memref_slice %arg4[%add3A_18, %dma_wait3A_57] : memref<32768x128xf32, #tpu.memory_space<hbm>> -> memref<256x128xf32, #tpu.memory_space<hbm>>
      %dma_wait3A_59 = arith.constant 0 : i32
      %dma_wait3A_60 = tpu.memref_slice %arg4[%add3A_18, %dma_wait3A_59] : memref<32768x128xf32, #tpu.memory_space<hbm>> -> memref<256x128xf32, #tpu.memory_space<hbm>>
      tpu.wait_dma2 semaphore(%arg10 : memref<!tpu.dma_semaphore, #tpu.memory_space<semaphore_mem>>) src(%arg6 : memref<256x128xf32, #tpu.memory_space<vmem>>) dst(%dma_wait3A_60 : memref<256x128xf32, #tpu.memory_space<hbm>>)
      %dma_start3A_61 = arith.constant 0 : i32
      %dma_start3A_62 = tpu.memref_slice %arg3[%add3A_24, %dma_start3A_61] : memref<32768x128xf32, #tpu.memory_space<hbm>> -> memref<256x128xf32, #tpu.memory_space<hbm>>
      %dma_start3A_63 = arith.constant 0 : i32
      %dma_start3A_64 = tpu.memref_slice %arg3[%add3A_24, %dma_start3A_63] : memref<32768x128xf32, #tpu.memory_space<hbm>> -> memref<256x128xf32, #tpu.memory_space<hbm>>
      tpu.enqueue_dma source(%dma_start3A_64 : memref<256x128xf32, #tpu.memory_space<hbm>>) target(%arg6 : memref<256x128xf32, #tpu.memory_space<vmem>>) target_semaphore(%arg8 : memref<!tpu.dma_semaphore, #tpu.memory_space<semaphore_mem>>)
      %dma_wait3A_65 = arith.constant 0 : i32
      %dma_wait3A_66 = tpu.memref_slice %arg3[%add3A_20, %dma_wait3A_65] : memref<32768x128xf32, #tpu.memory_space<hbm>> -> memref<256x128xf32, #tpu.memory_space<hbm>>
      %dma_wait3A_67 = arith.constant 0 : i32
      %dma_wait3A_68 = tpu.memref_slice %arg3[%add3A_20, %dma_wait3A_67] : memref<32768x128xf32, #tpu.memory_space<hbm>> -> memref<256x128xf32, #tpu.memory_space<hbm>>
      tpu.wait_dma2 semaphore(%arg7 : memref<!tpu.dma_semaphore, #tpu.memory_space<semaphore_mem>>) src(%dma_wait3A_68 : memref<256x128xf32, #tpu.memory_space<hbm>>) dst(%arg5 : memref<256x128xf32, #tpu.memory_space<vmem>>)
      %dma_start3A_69 = arith.constant 0 : i32
      %dma_start3A_70 = tpu.memref_slice %arg4[%add3A_22, %dma_start3A_69] : memref<32768x128xf32, #tpu.memory_space<hbm>> -> memref<256x128xf32, #tpu.memory_space<hbm>>
      %dma_start3A_71 = arith.constant 0 : i32
      %dma_start3A_72 = tpu.memref_slice %arg4[%add3A_22, %dma_start3A_71] : memref<32768x128xf32, #tpu.memory_space<hbm>> -> memref<256x128xf32, #tpu.memory_space<hbm>>
      tpu.enqueue_dma source(%arg5 : memref<256x128xf32, #tpu.memory_space<vmem>>) target(%dma_start3A_72 : memref<256x128xf32, #tpu.memory_space<hbm>>) target_semaphore(%arg9 : memref<!tpu.dma_semaphore, #tpu.memory_space<semaphore_mem>>)
      %dma_wait3A_73 = arith.constant 0 : i32
      %dma_wait3A_74 = tpu.memref_slice %arg3[%add3A_24, %dma_wait3A_73] : memref<32768x128xf32, #tpu.memory_space<hbm>> -> memref<256x128xf32, #tpu.memory_space<hbm>>
      %dma_wait3A_75 = arith.constant 0 : i32
      %dma_wait3A_76 = tpu.memref_slice %arg3[%add3A_24, %dma_wait3A_75] : memref<32768x128xf32, #tpu.memory_space<hbm>> -> memref<256x128xf32, #tpu.memory_space<hbm>>
      tpu.wait_dma2 semaphore(%arg8 : memref<!tpu.dma_semaphore, #tpu.memory_space<semaphore_mem>>) src(%dma_wait3A_76 : memref<256x128xf32, #tpu.memory_space<hbm>>) dst(%arg6 : memref<256x128xf32, #tpu.memory_space<vmem>>)
      %dma_start3A_77 = arith.constant 0 : i32
      %dma_start3A_78 = tpu.memref_slice %arg4[%add3A_26, %dma_start3A_77] : memref<32768x128xf32, #tpu.memory_space<hbm>> -> memref<256x128xf32, #tpu.memory_space<hbm>>
      %dma_start3A_79 = arith.constant 0 : i32
      %dma_start3A_80 = tpu.memref_slice %arg4[%add3A_26, %dma_start3A_79] : memref<32768x128xf32, #tpu.memory_space<hbm>> -> memref<256x128xf32, #tpu.memory_space<hbm>>
      tpu.enqueue_dma source(%arg6 : memref<256x128xf32, #tpu.memory_space<vmem>>) target(%dma_start3A_80 : memref<256x128xf32, #tpu.memory_space<hbm>>) target_semaphore(%arg10 : memref<!tpu.dma_semaphore, #tpu.memory_space<semaphore_mem>>)
      %dma_wait3A_81 = arith.constant 0 : i32
      %dma_wait3A_82 = tpu.memref_slice %arg4[%add3A_22, %dma_wait3A_81] : memref<32768x128xf32, #tpu.memory_space<hbm>> -> memref<256x128xf32, #tpu.memory_space<hbm>>
      %dma_wait3A_83 = arith.constant 0 : i32
      %dma_wait3A_84 = tpu.memref_slice %arg4[%add3A_22, %dma_wait3A_83] : memref<32768x128xf32, #tpu.memory_space<hbm>> -> memref<256x128xf32, #tpu.memory_space<hbm>>
      tpu.wait_dma2 semaphore(%arg9 : memref<!tpu.dma_semaphore, #tpu.memory_space<semaphore_mem>>) src(%arg5 : memref<256x128xf32, #tpu.memory_space<vmem>>) dst(%dma_wait3A_84 : memref<256x128xf32, #tpu.memory_space<hbm>>)
      %dma_wait3A_85 = arith.constant 0 : i32
      %dma_wait3A_86 = tpu.memref_slice %arg4[%add3A_26, %dma_wait3A_85] : memref<32768x128xf32, #tpu.memory_space<hbm>> -> memref<256x128xf32, #tpu.memory_space<hbm>>
      %dma_wait3A_87 = arith.constant 0 : i32
      %dma_wait3A_88 = tpu.memref_slice %arg4[%add3A_26, %dma_wait3A_87] : memref<32768x128xf32, #tpu.memory_space<hbm>> -> memref<256x128xf32, #tpu.memory_space<hbm>>
      tpu.wait_dma2 semaphore(%arg10 : memref<!tpu.dma_semaphore, #tpu.memory_space<semaphore_mem>>) src(%arg6 : memref<256x128xf32, #tpu.memory_space<vmem>>) dst(%dma_wait3A_88 : memref<256x128xf32, #tpu.memory_space<hbm>>)
    } else {
    }
    %ge3A = arith.constant 28 : i32
    %ge3A_5 = arith.cmpi sge, %add3A, %ge3A : i32
    %convert_element_type3A_6 = arith.extui %ge3A_5 : i1 to i32
    %cond3A_7 = arith.constant 0 : i32
    %cond3A_8 = arith.cmpi ne, %convert_element_type3A_6, %cond3A_7 : i32
    scf.if %cond3A_8 {
      %sub3A = arith.constant 28672 : i32
      %sub3A_9 = arith.subi %mul3A_2, %sub3A : i32
      %add3A_10 = arith.constant 0 : i32
      %add3A_11 = arith.addi %sub3A_9, %add3A_10 : i32
      %add3A_12 = arith.constant 0 : i32
      %add3A_13 = arith.addi %mul3A_2, %add3A_12 : i32
      %add3A_14 = arith.constant 256 : i32
      %add3A_15 = arith.addi %sub3A_9, %add3A_14 : i32
      %add3A_16 = arith.constant 256 : i32
      %add3A_17 = arith.addi %mul3A_2, %add3A_16 : i32
      %add3A_18 = arith.constant 512 : i32
      %add3A_19 = arith.addi %sub3A_9, %add3A_18 : i32
      %add3A_20 = arith.constant 512 : i32
      %add3A_21 = arith.addi %mul3A_2, %add3A_20 : i32
      %add3A_22 = arith.constant 768 : i32
      %add3A_23 = arith.addi %sub3A_9, %add3A_22 : i32
      %add3A_24 = arith.constant 768 : i32
      %add3A_25 = arith.addi %mul3A_2, %add3A_24 : i32
      %dma_start3A = arith.constant 0 : i32
      %dma_start3A_26 = tpu.memref_slice %arg2[%add3A_11, %dma_start3A] : memref<4096x128xf32, #tpu.memory_space<hbm>> -> memref<256x128xf32, #tpu.memory_space<hbm>>
      %dma_start3A_27 = arith.constant 0 : i32
      %dma_start3A_28 = tpu.memref_slice %arg2[%add3A_11, %dma_start3A_27] : memref<4096x128xf32, #tpu.memory_space<hbm>> -> memref<256x128xf32, #tpu.memory_space<hbm>>
      tpu.enqueue_dma source(%dma_start3A_28 : memref<256x128xf32, #tpu.memory_space<hbm>>) target(%arg5 : memref<256x128xf32, #tpu.memory_space<vmem>>) target_semaphore(%arg7 : memref<!tpu.dma_semaphore, #tpu.memory_space<semaphore_mem>>)
      %dma_start3A_29 = arith.constant 0 : i32
      %dma_start3A_30 = tpu.memref_slice %arg2[%add3A_15, %dma_start3A_29] : memref<4096x128xf32, #tpu.memory_space<hbm>> -> memref<256x128xf32, #tpu.memory_space<hbm>>
      %dma_start3A_31 = arith.constant 0 : i32
      %dma_start3A_32 = tpu.memref_slice %arg2[%add3A_15, %dma_start3A_31] : memref<4096x128xf32, #tpu.memory_space<hbm>> -> memref<256x128xf32, #tpu.memory_space<hbm>>
      tpu.enqueue_dma source(%dma_start3A_32 : memref<256x128xf32, #tpu.memory_space<hbm>>) target(%arg6 : memref<256x128xf32, #tpu.memory_space<vmem>>) target_semaphore(%arg8 : memref<!tpu.dma_semaphore, #tpu.memory_space<semaphore_mem>>)
      %dma_wait3A = arith.constant 0 : i32
      %dma_wait3A_33 = tpu.memref_slice %arg2[%add3A_11, %dma_wait3A] : memref<4096x128xf32, #tpu.memory_space<hbm>> -> memref<256x128xf32, #tpu.memory_space<hbm>>
      %dma_wait3A_34 = arith.constant 0 : i32
      %dma_wait3A_35 = tpu.memref_slice %arg2[%add3A_11, %dma_wait3A_34] : memref<4096x128xf32, #tpu.memory_space<hbm>> -> memref<256x128xf32, #tpu.memory_space<hbm>>
      tpu.wait_dma2 semaphore(%arg7 : memref<!tpu.dma_semaphore, #tpu.memory_space<semaphore_mem>>) src(%dma_wait3A_35 : memref<256x128xf32, #tpu.memory_space<hbm>>) dst(%arg5 : memref<256x128xf32, #tpu.memory_space<vmem>>)
      %dma_start3A_36 = arith.constant 0 : i32
      %dma_start3A_37 = tpu.memref_slice %arg4[%add3A_13, %dma_start3A_36] : memref<32768x128xf32, #tpu.memory_space<hbm>> -> memref<256x128xf32, #tpu.memory_space<hbm>>
      %dma_start3A_38 = arith.constant 0 : i32
      %dma_start3A_39 = tpu.memref_slice %arg4[%add3A_13, %dma_start3A_38] : memref<32768x128xf32, #tpu.memory_space<hbm>> -> memref<256x128xf32, #tpu.memory_space<hbm>>
      tpu.enqueue_dma source(%arg5 : memref<256x128xf32, #tpu.memory_space<vmem>>) target(%dma_start3A_39 : memref<256x128xf32, #tpu.memory_space<hbm>>) target_semaphore(%arg9 : memref<!tpu.dma_semaphore, #tpu.memory_space<semaphore_mem>>)
      %dma_wait3A_40 = arith.constant 0 : i32
      %dma_wait3A_41 = tpu.memref_slice %arg4[%add3A_13, %dma_wait3A_40] : memref<32768x128xf32, #tpu.memory_space<hbm>> -> memref<256x128xf32, #tpu.memory_space<hbm>>
      %dma_wait3A_42 = arith.constant 0 : i32
      %dma_wait3A_43 = tpu.memref_slice %arg4[%add3A_13, %dma_wait3A_42] : memref<32768x128xf32, #tpu.memory_space<hbm>> -> memref<256x128xf32, #tpu.memory_space<hbm>>
      tpu.wait_dma2 semaphore(%arg9 : memref<!tpu.dma_semaphore, #tpu.memory_space<semaphore_mem>>) src(%arg5 : memref<256x128xf32, #tpu.memory_space<vmem>>) dst(%dma_wait3A_43 : memref<256x128xf32, #tpu.memory_space<hbm>>)
      %dma_start3A_44 = arith.constant 0 : i32
      %dma_start3A_45 = tpu.memref_slice %arg2[%add3A_19, %dma_start3A_44] : memref<4096x128xf32, #tpu.memory_space<hbm>> -> memref<256x128xf32, #tpu.memory_space<hbm>>
      %dma_start3A_46 = arith.constant 0 : i32
      %dma_start3A_47 = tpu.memref_slice %arg2[%add3A_19, %dma_start3A_46] : memref<4096x128xf32, #tpu.memory_space<hbm>> -> memref<256x128xf32, #tpu.memory_space<hbm>>
      tpu.enqueue_dma source(%dma_start3A_47 : memref<256x128xf32, #tpu.memory_space<hbm>>) target(%arg5 : memref<256x128xf32, #tpu.memory_space<vmem>>) target_semaphore(%arg7 : memref<!tpu.dma_semaphore, #tpu.memory_space<semaphore_mem>>)
      %dma_wait3A_48 = arith.constant 0 : i32
      %dma_wait3A_49 = tpu.memref_slice %arg2[%add3A_15, %dma_wait3A_48] : memref<4096x128xf32, #tpu.memory_space<hbm>> -> memref<256x128xf32, #tpu.memory_space<hbm>>
      %dma_wait3A_50 = arith.constant 0 : i32
      %dma_wait3A_51 = tpu.memref_slice %arg2[%add3A_15, %dma_wait3A_50] : memref<4096x128xf32, #tpu.memory_space<hbm>> -> memref<256x128xf32, #tpu.memory_space<hbm>>
      tpu.wait_dma2 semaphore(%arg8 : memref<!tpu.dma_semaphore, #tpu.memory_space<semaphore_mem>>) src(%dma_wait3A_51 : memref<256x128xf32, #tpu.memory_space<hbm>>) dst(%arg6 : memref<256x128xf32, #tpu.memory_space<vmem>>)
      %dma_start3A_52 = arith.constant 0 : i32
      %dma_start3A_53 = tpu.memref_slice %arg4[%add3A_17, %dma_start3A_52] : memref<32768x128xf32, #tpu.memory_space<hbm>> -> memref<256x128xf32, #tpu.memory_space<hbm>>
      %dma_start3A_54 = arith.constant 0 : i32
      %dma_start3A_55 = tpu.memref_slice %arg4[%add3A_17, %dma_start3A_54] : memref<32768x128xf32, #tpu.memory_space<hbm>> -> memref<256x128xf32, #tpu.memory_space<hbm>>
      tpu.enqueue_dma source(%arg6 : memref<256x128xf32, #tpu.memory_space<vmem>>) target(%dma_start3A_55 : memref<256x128xf32, #tpu.memory_space<hbm>>) target_semaphore(%arg10 : memref<!tpu.dma_semaphore, #tpu.memory_space<semaphore_mem>>)
      %dma_wait3A_56 = arith.constant 0 : i32
      %dma_wait3A_57 = tpu.memref_slice %arg4[%add3A_17, %dma_wait3A_56] : memref<32768x128xf32, #tpu.memory_space<hbm>> -> memref<256x128xf32, #tpu.memory_space<hbm>>
      %dma_wait3A_58 = arith.constant 0 : i32
      %dma_wait3A_59 = tpu.memref_slice %arg4[%add3A_17, %dma_wait3A_58] : memref<32768x128xf32, #tpu.memory_space<hbm>> -> memref<256x128xf32, #tpu.memory_space<hbm>>
      tpu.wait_dma2 semaphore(%arg10 : memref<!tpu.dma_semaphore, #tpu.memory_space<semaphore_mem>>) src(%arg6 : memref<256x128xf32, #tpu.memory_space<vmem>>) dst(%dma_wait3A_59 : memref<256x128xf32, #tpu.memory_space<hbm>>)
      %dma_start3A_60 = arith.constant 0 : i32
      %dma_start3A_61 = tpu.memref_slice %arg2[%add3A_23, %dma_start3A_60] : memref<4096x128xf32, #tpu.memory_space<hbm>> -> memref<256x128xf32, #tpu.memory_space<hbm>>
      %dma_start3A_62 = arith.constant 0 : i32
      %dma_start3A_63 = tpu.memref_slice %arg2[%add3A_23, %dma_start3A_62] : memref<4096x128xf32, #tpu.memory_space<hbm>> -> memref<256x128xf32, #tpu.memory_space<hbm>>
      tpu.enqueue_dma source(%dma_start3A_63 : memref<256x128xf32, #tpu.memory_space<hbm>>) target(%arg6 : memref<256x128xf32, #tpu.memory_space<vmem>>) target_semaphore(%arg8 : memref<!tpu.dma_semaphore, #tpu.memory_space<semaphore_mem>>)
      %dma_wait3A_64 = arith.constant 0 : i32
      %dma_wait3A_65 = tpu.memref_slice %arg2[%add3A_19, %dma_wait3A_64] : memref<4096x128xf32, #tpu.memory_space<hbm>> -> memref<256x128xf32, #tpu.memory_space<hbm>>
      %dma_wait3A_66 = arith.constant 0 : i32
      %dma_wait3A_67 = tpu.memref_slice %arg2[%add3A_19, %dma_wait3A_66] : memref<4096x128xf32, #tpu.memory_space<hbm>> -> memref<256x128xf32, #tpu.memory_space<hbm>>
      tpu.wait_dma2 semaphore(%arg7 : memref<!tpu.dma_semaphore, #tpu.memory_space<semaphore_mem>>) src(%dma_wait3A_67 : memref<256x128xf32, #tpu.memory_space<hbm>>) dst(%arg5 : memref<256x128xf32, #tpu.memory_space<vmem>>)
      %dma_start3A_68 = arith.constant 0 : i32
      %dma_start3A_69 = tpu.memref_slice %arg4[%add3A_21, %dma_start3A_68] : memref<32768x128xf32, #tpu.memory_space<hbm>> -> memref<256x128xf32, #tpu.memory_space<hbm>>
      %dma_start3A_70 = arith.constant 0 : i32
      %dma_start3A_71 = tpu.memref_slice %arg4[%add3A_21, %dma_start3A_70] : memref<32768x128xf32, #tpu.memory_space<hbm>> -> memref<256x128xf32, #tpu.memory_space<hbm>>
      tpu.enqueue_dma source(%arg5 : memref<256x128xf32, #tpu.memory_space<vmem>>) target(%dma_start3A_71 : memref<256x128xf32, #tpu.memory_space<hbm>>) target_semaphore(%arg9 : memref<!tpu.dma_semaphore, #tpu.memory_space<semaphore_mem>>)
      %dma_wait3A_72 = arith.constant 0 : i32
      %dma_wait3A_73 = tpu.memref_slice %arg2[%add3A_23, %dma_wait3A_72] : memref<4096x128xf32, #tpu.memory_space<hbm>> -> memref<256x128xf32, #tpu.memory_space<hbm>>
      %dma_wait3A_74 = arith.constant 0 : i32
      %dma_wait3A_75 = tpu.memref_slice %arg2[%add3A_23, %dma_wait3A_74] : memref<4096x128xf32, #tpu.memory_space<hbm>> -> memref<256x128xf32, #tpu.memory_space<hbm>>
      tpu.wait_dma2 semaphore(%arg8 : memref<!tpu.dma_semaphore, #tpu.memory_space<semaphore_mem>>) src(%dma_wait3A_75 : memref<256x128xf32, #tpu.memory_space<hbm>>) dst(%arg6 : memref<256x128xf32, #tpu.memory_space<vmem>>)
      %dma_start3A_76 = arith.constant 0 : i32
      %dma_start3A_77 = tpu.memref_slice %arg4[%add3A_25, %dma_start3A_76] : memref<32768x128xf32, #tpu.memory_space<hbm>> -> memref<256x128xf32, #tpu.memory_space<hbm>>
      %dma_start3A_78 = arith.constant 0 : i32
      %dma_start3A_79 = tpu.memref_slice %arg4[%add3A_25, %dma_start3A_78] : memref<32768x128xf32, #tpu.memory_space<hbm>> -> memref<256x128xf32, #tpu.memory_space<hbm>>
      tpu.enqueue_dma source(%arg6 : memref<256x128xf32, #tpu.memory_space<vmem>>) target(%dma_start3A_79 : memref<256x128xf32, #tpu.memory_space<hbm>>) target_semaphore(%arg10 : memref<!tpu.dma_semaphore, #tpu.memory_space<semaphore_mem>>)
      %dma_wait3A_80 = arith.constant 0 : i32
      %dma_wait3A_81 = tpu.memref_slice %arg4[%add3A_21, %dma_wait3A_80] : memref<32768x128xf32, #tpu.memory_space<hbm>> -> memref<256x128xf32, #tpu.memory_space<hbm>>
      %dma_wait3A_82 = arith.constant 0 : i32
      %dma_wait3A_83 = tpu.memref_slice %arg4[%add3A_21, %dma_wait3A_82] : memref<32768x128xf32, #tpu.memory_space<hbm>> -> memref<256x128xf32, #tpu.memory_space<hbm>>
      tpu.wait_dma2 semaphore(%arg9 : memref<!tpu.dma_semaphore, #tpu.memory_space<semaphore_mem>>) src(%arg5 : memref<256x128xf32, #tpu.memory_space<vmem>>) dst(%dma_wait3A_83 : memref<256x128xf32, #tpu.memory_space<hbm>>)
      %dma_wait3A_84 = arith.constant 0 : i32
      %dma_wait3A_85 = tpu.memref_slice %arg4[%add3A_25, %dma_wait3A_84] : memref<32768x128xf32, #tpu.memory_space<hbm>> -> memref<256x128xf32, #tpu.memory_space<hbm>>
      %dma_wait3A_86 = arith.constant 0 : i32
      %dma_wait3A_87 = tpu.memref_slice %arg4[%add3A_25, %dma_wait3A_86] : memref<32768x128xf32, #tpu.memory_space<hbm>> -> memref<256x128xf32, #tpu.memory_space<hbm>>
      tpu.wait_dma2 semaphore(%arg10 : memref<!tpu.dma_semaphore, #tpu.memory_space<semaphore_mem>>) src(%arg6 : memref<256x128xf32, #tpu.memory_space<vmem>>) dst(%dma_wait3A_87 : memref<256x128xf32, #tpu.memory_space<hbm>>)
    } else {
    }
    return
  }
}

</mosaic_0001>

<sc_bundles>
// kernel: kernel.3.cloned.1.call-start
scs
__scs_entry_jumppad:
0x0: {  	(pc) =	sbr.rel $0x88, $3  }
0x1: {  	(tag) =	ssettag $0x0;
	lr =	simm.s32 $0x1  }
0x2: {  	[smem:$0x3F9F] =	sst lr;
	_ =	strace $0xD0000000  }
0x3: {  	_ = 	snop  }
0x4: {  	_ = 	snop  }
0x5: {  	_ = 	snop  }
0x6: {  	_ = 	snop  }
0x7: {  	_ = 	snop  }
__scs_overlays_trampoline_lowered:
0x8: {  	[smem:$0x3FAE] =	sst s0  }
0x9: {  	[smem:$0x3FAF] =	sst s1  }
0xa: {  	[smem:$0x3FB0] =	sst s2  }
0xb: {  	[smem:$0x3FB1] =	sst s3  }
0xc: {  	[smem:$0x3FB2] =	sst s4  }
0xd: {  	[smem:$0x3FB3] =	sst s5  }
0xe: {  	[smem:$0x3FB4] =	sst s6  }
0xf: {  	[smem:$0x3FB5] =	sst s7  }
0x10: {  	[smem:$0x3FB6] =	sst s8  }
0x11: {  	[smem:$0x3FB7] =	sst s9;
	s0 =	simm.s32 @!p0 $0x0  }
0x12: {  	s1 =	sld [smem:$0x3F9D];
	s0 =	simm.s32 @p0 $0x1  }
0x13: {  	[smem:$0x3FB8] =	sst s0;
	s0 =	simm.s32 @!p1 $0x0  }
0x14: {  	s2 =	sld [smem:$0x3F9C];
	s0 =	simm.s32 @p1 $0x1  }
0x15: {  	[smem:$0x3FB9] =	sst s0;
	s0 =	simm.s32 @!p2 $0x0  }
0x16: {  	s3 =	sld [smem:$0x3FDB];
	s0 =	simm.s32 @p2 $0x1  }
0x17: {  	s4 =	simm.s32 $0x1BF5;
	[smem:$0x3FBB] =	sst s0  }
0x18: {  	s0 =	sld [smem:$0x3F9E];
	_ =	swait.ge [sflag:s4], $0x0  }
0x19: {  	s7 =	sld [smem:$0x3F9F]  }
0x1a: {  	s8 =	sadd.s32 $0xFFFFE003, lr  }
0x1b: {  	s9 =	sadd.s32 $0xFFFFFEF7, lr;
	s5 =	simm.s32 $0xFFFFFFFF;
	p2 =	slt.u32 s8, $0xFFFFF086  }
0x1c: {  	p1 =	slt.u32 s9, $0xF7A;
	s5 =	simm.s32 @!p2 $0x0  }
0x1d: {  	s5 =	simm.s32 @p1 $0x1;
	p0 =	seq.s32 s7, s2  }
0x1e: {  	s7 =	smul.u32 @!p0 $0xF7A, s2;
	p2 =	seq.s32 @!p0 s5, $0x0  }
0x1f: {  	s9 =	smul.u32 $0xF7A, s1;
	s8 =	simm.s32 @!p0 $0x1BF5;
	p2 =	por !p2, p0  }
0x20: {  	[sflag:s8] =	ssyncset.s32 @!p0 $0xFFFFF086;
	s6 =	sadd.s32 @!p0 s3, s7;
	s7 =	simm.s32 @!p0 $0x108  }
0x21: {  	s3 =	sadd.s32 s3, s9;
	s6 =	sadd.s32 @!p0 $0x88, s6;
	s7 =	simm.s32 @p2 $0x1082  }
0x22: {  	[simem:s7], [sflag:s8] =	dma.local @!p0 [hbm:s6], $0xF7A  }
0x23: {  	s9 =	sor.u32 $0xD0000000, s2;
	s6 =	simm.s32 $0x108;
	_ =	swait.ge @!p0 [sflag:s8], $0x0  }
0x24: {  	s3 =	sadd.s32 $0x88, s3;
	s6 =	simm.s32 @!p1 $0x1082;
	[sflag:s4] =	ssyncset.s32 $0xFFFFF086  }
0x25: {  	[simem:s6], [sflag:s4] =	dma.local [hbm:s3], $0xF7A  }
0x26: {  	[smem:$0x3F9F] =	sst s1;
	(tag) =	ssettag s2;
	_ =	strace s9  }
0x27: {  	s1 =	sld [smem:$0x3FAF]  }
0x28: {  	s2 =	sld [smem:$0x3FB0]  }
0x29: {  	s4 =	sld [smem:$0x3FB2]  }
0x2a: {  	p0 =	seq.s32 s5, $0x0;
	s5 =	sld [smem:$0x3FB3]  }
0x2b: {  	s6 =	sld [smem:$0x3FB4]  }
0x2c: {  	s7 =	sld [smem:$0x3FB5]  }
0x2d: {  	s3 =	simm.s32 $0x108;
	s8 =	sld [smem:$0x3FB6]  }
0x2e: {  	s3 =	simm.s32 @!p0 $0x1082;
	s9 =	sld [smem:$0x3FB7]  }
0x2f: {  	lr =	sadd.s32 s0, s3;
	s0 =	sld [smem:$0x3FAE]  }
0x30: {  	s3 =	sld [smem:$0x3FB1]  }
0x31: {  	[smem:$0x3FBA] =	sst s10  }
0x32: {  	s10 =	sld [smem:$0x3FB8];
	_ =	sdelay $0x3  }
0x33: {  	p0 =	seq.s32 s10, $0x1;
	s10 =	sld [smem:$0x3FBA];
	_ =	sdelay $0x3  }
0x34: {  	[smem:$0x3FBA] =	sst s10  }
0x35: {  	s10 =	sld [smem:$0x3FB9];
	_ =	sdelay $0x3  }
0x36: {  	p1 =	seq.s32 s10, $0x1;
	s10 =	sld [smem:$0x3FBA];
	_ =	sdelay $0x3  }
0x37: {  	[smem:$0x3FBA] =	sst s10  }
0x38: {  	s10 =	sld [smem:$0x3FBB]  }
0x39: {  	_ = 	snop;
	(pc) =	sbr.ind lr, $3  }
0x3a: {  	_ = 	snop  }
0x3b: {  	_ = 	snop  }
0x3c: {  	p2 =	seq.s32 s10, $0x1;
	s10 =	sld [smem:$0x3FBA]  }
0x3d: {  	_ =	shalt  }
0x3e: {  	_ =	shalt  }
0x3f: {  	_ =	shalt  }
0x40: {  	_ =	shalt  }
0x41: {  	_ =	shalt  }
0x42: {  	_ =	shalt  }
0x43: {  	_ =	shalt  }
0x44: {  	_ =	shalt  }
0x45: {  	_ =	shalt  }
0x46: {  	_ =	shalt  }
0x47: {  	_ =	shalt  }
0x48: {  	_ =	shalt  }
0x49: {  	_ =	shalt  }
0x4a: {  	_ =	shalt  }
0x4b: {  	_ =	shalt  }
0x4c: {  	_ =	shalt  }
0x4d: {  	_ =	shalt  }
0x4e: {  	_ =	shalt  }
0x4f: {  	_ =	shalt  }
0x50: {  	_ =	shalt  }
0x51: {  	_ =	shalt  }
0x52: {  	_ =	shalt  }
0x53: {  	_ =	shalt  }
0x54: {  	_ =	shalt  }
0x55: {  	_ =	shalt  }
0x56: {  	_ =	shalt  }
0x57: {  	_ =	shalt  }
0x58: {  	_ =	shalt  }
0x59: {  	_ =	shalt  }
0x5a: {  	_ =	shalt  }
0x5b: {  	_ =	shalt  }
0x5c: {  	_ =	shalt  }
0x5d: {  	_ =	shalt  }
0x5e: {  	_ =	shalt  }
0x5f: {  	_ =	shalt  }
0x60: {  	_ =	shalt  }
0x61: {  	_ =	shalt  }
0x62: {  	_ =	shalt  }
0x63: {  	_ =	shalt  }
0x64: {  	_ =	shalt  }
0x65: {  	_ =	shalt  }
0x66: {  	_ =	shalt  }
0x67: {  	_ =	shalt  }
0x68: {  	_ =	shalt  }
0x69: {  	_ =	shalt  }
0x6a: {  	_ =	shalt  }
0x6b: {  	_ =	shalt  }
0x6c: {  	_ =	shalt  }
0x6d: {  	_ =	shalt  }
0x6e: {  	_ =	shalt  }
0x6f: {  	_ =	shalt  }
0x70: {  	_ =	shalt  }
0x71: {  	_ =	shalt  }
0x72: {  	_ =	shalt  }
0x73: {  	_ =	shalt  }
0x74: {  	_ =	shalt  }
0x75: {  	_ =	shalt  }
0x76: {  	_ =	shalt  }
0x77: {  	_ =	shalt  }
0x78: {  	_ =	shalt  }
0x79: {  	_ =	shalt  }
0x7a: {  	_ =	shalt  }
0x7b: {  	_ =	shalt  }
0x7c: {  	_ =	shalt  }
0x7d: {  	_ =	shalt  }
0x7e: {  	_ =	shalt  }
0x7f: {  	_ =	shalt  }
0x80: {  	_ =	shalt  }
0x81: {  	_ =	shalt  }
0x82: {  	_ =	shalt  }
0x83: {  	_ =	shalt  }
0x84: {  	_ =	shalt  }
0x85: {  	_ =	shalt  }
0x86: {  	_ =	shalt  }
0x87: {  	_ =	shalt  }
.Lfunc_end0:
.L_simem_size_0:
called_computation_lowered:
.L_overlay_start_0:
0x88: {  	s2 =	sld [smem:$0x3FD9]  }
0x89: {  	s3 =	sld [smem:$0x3FFE];
	_ =	sdelay $0x1  }
0x8a: {  	s1 =	srdreg.scid  }
0x8b: {  	s0 =	sand.u32 $0x1, s1  }
0x8c: {  	s18 =	sshll.u32 s0, $0xA;
	s2 =	sadd.s32 s3, s2  }
0x8d: {  	s2 =	sadd.s32 s2, s18  }
0x8e: {  	[smem:$0x3FC6] =	sst s2  }
0x8f: {  	_ = 	snop  }
0x90: {  	s2 =	sld [smem:$0x3FC9]  }
0x91: {  	s19 =	sld [smem:$0x3FC8]  }
0x92: {  	s4 =	sld [smem:$0x3FD0];
	(tm) =	ssettm $0x1  }
0x93: {  	s5 =	sld [smem:$0x3FFB];
	_ =	sdelay $0x3  }
0x94: {  	_ =	strace s5  }
0x95: {  	s5 =	sld [smem:$0x3FFC];
	_ =	sdelay $0x3  }
0x96: {  	_ =	strace s5  }
0x97: {  	s5 =	sld [smem:$0x3FFD];
	_ =	sdelay $0x3  }
0x98: {  	_ =	strace s5  }
0x99: {  	_ =	strace $0x8FFFFFFF  }
0x9a: {  	s20 =	sld [smem:$0x3FDB];
	_ =	sdelay $0x1  }
0x9b: {  	s6 =	simm.s32 $_scs_section_size  }
0x9c: {  	s7 =	simm.s32 $_size__tile_overlayer_lowered;
	s8 =	simm.s32 $_tile_overlayer_lowered  }
0x9d: {  	s23 =	simm.s32 $0x1BFF;
	s22 =	sshll.u32 s8, $0x1;
	s5 =	sadd.s32 s6, s20  }
0x9e: {  	s9 =	simm.s32 $0x0;
	s21 =	sshll.u32 s7, $0x1;
	s7 =	sadd.s32 s22, s5  }
0x9f: {  	[timem:s9], [sflag:s23] =	dma.local [hbm:s7], s21  }
0xa0: {  	_ =	swait.ge [sflag:s23], s21  }
0xa1: {  	s6 =	ssub.s32 $0x0, s21;
	[sflag:s23] =	ssyncset.done $0x0  }
0xa2: {  	[sflag:s23] =	ssyncadd.s32 s6;
	_ =	sdelay $0x1  }
0xa3: {  	s24 =	simm.s32 $0x1B8B  }
0xa4: {  	_ =	swait.ge [sflag:s24], $0x1  }
0xa5: {  	[sflag:s24] =	ssyncset.done $0x0  }
0xa6: {  	s25 =	simm.s32 $0x1B8E;
	[sflag:s24] =	ssyncadd.s32 $0xFFFFFFFF  }
0xa7: {  	s26 =	simm.s32 $execute0_lowered;
	[smem:$0x3FD2] =	sst s25  }
0xa8: {  	s6 =	sshll.u32 s26, $0x1;
	_ =	strace $0x80000046;
	[dreg:$0x1] =	wrdreg $0xFFFFFFFF  }
0xa9: {  	s28 =	simm.s32 $_size_execute0_lowered;
	s5 =	sadd.s32 s5, s6;
	[dreg:$0x0] =	wrdreg $0x0  }
0xaa: {  	s6 =	sshll.u32 s28, $0x1;
	[dreg:$0x2] =	wrdreg s5  }
0xab: {  	[dreg:$0x3] =	wrdreg s6  }
0xac: {  	[dreg:$0x4] =	wrdreg $0xC0  }
0xad: {  	_ =	task [dreg:s9], $0x5FFFF  }
0xae: {  	[dreg:$0x1] =	wrdreg $0xFFFFFFFF  }
0xaf: {  	[dreg:$0x0] =	wrdreg $0x60  }
0xb0: {  	[dreg:$0x2] =	wrdreg s2  }
0xb1: {  	[dreg:$0x3] =	wrdreg s19  }
0xb2: {  	[dreg:$0x4] =	wrdreg s4  }
0xb3: {  	[dreg:$0x5] =	wrdreg $0x9  }
0xb4: {  	_ =	task.clear_ibuf [dreg:s9], $0x6FFFF;
	_ =	strace $0x90000046  }
0xb5: {  	s29 =	simm.s32 $0x9;
	_ =	strace $0x80000048  }
0xb6: {  	_ =	swait.ge [sflag:s29], $0x1  }
0xb7: {  	[sflag:s29] =	ssyncadd.s32 $0xFFFFFFFF  }
0xb8: {  	_ =	strace $0x90000048  }
0xb9: {  	_ =	sfence  }
0xba: {  	s30 =	sld [smem:$0x0];
	_ =	sdelay $0x2  }
0xbb: {  	s31 =	sshll.u32 s1, $0xD;
	s1 =	sshrl.u32 s1, $0x2  }
0xbc: {  	s3 =	sand.u32 $0x4000, s31;
	s1 =	sadd.s32 s1, s30  }
0xbd: {  	s0 =	sor.u32 s3, s0;
	s1 =	sshll.u32 s1, $0x11  }
0xbe: {  	s0 =	sor.u32 s1, s0  }
0xbf: {  	s0 =	sadd.s32 $0x8F2B, s0  }
0xc0: {  	[sflag:s0] =	ssyncadd.remote.s32 $0x1  }
0xc1: {  	_ =	sfence.sel $0xFFFF  }
0xc2: {  	[dreg:$0x0] =	wrdreg $0xFFFFFFFF;
	(pc) =	sbr.abs _section_cstart, $3  }
0xc3: {  	[dreg:$0x1] =	wrdreg $0xFFFFFFFF  }
0xc4: {  	_ =	task.clear_ibuf [dreg:s9], $0x2FFFF;
	_ =	strace $0x9FFFFFFF  }
0xc5: {  	(tm) =	ssettm $0x7FFFFFFF  }
tec
execute0_lowered:
.L_overlay_start_1:
0x0: {  	(tag) =	ssettag $0x1  }
0x1: {  	s13 =	rddreg [dreg:$0x0]  }
0x2: {  	s3 =	rddreg [dreg:$0x1]  }
0x3: {  	s4 =	srdreg.scid;
	s1 =	stileid.u32  }
0x4: {  	s7 =	rddreg [dreg:$0x2];
	s15 =	sand.u32 $0x1, s4;
	s28 =	sshll.u32 s1, $0x1  }
0x5: {  	s0 =	rddreg [dreg:$0x3];
	s2 =	simm.s32 $0x0;
	s8 =	sor.u32 s15, s28  }
0x6: {  	[smem:$0x7FF] =	sst s2;
	p0 =	slt.u32 s1, $0xE;
	s12 =	sshll.u32 s8, $0x11  }
0x7: {  	_ =	strace $0x80000047;
	s29 =	sadd.s32 $0xFFC80000, s12;
	s5 =	sshrl.u32 s12, $0x3  }
0x8: {  	s6 =	sadd.s32 $0xFFC88000, s12;
	s4 =	sshrl.u32 s29, $0x3;
	s14 =	sadd.s32 s3, s5  }
0x9: {  	s30 =	sshrl.u32 s6, $0x3;
	s3 =	sadd.s32 s13, s4;
	s5 =	sadd.s32 $0x10000, s14  }
0xa: {  	s4 =	sadd.s32 s13, s30;
	s6 =	sadd.s32 $0x11000, s14;
	s3 =	smov.u32 @p0 s5  }
0xb: {  	[tilespmem:s2], [sflag:$0x1] =	stream.linear.gather [hbm4b:s3+s2], $0x8000, $0x38;
	[tilespmem:$0x10000] =	vst v63  }
0xc: {  	s4 =	smov.u32 @p0 s6;
	s5 =	simm.s32 $0x8000;
	s6 =	simm.s32 $0x1  }
0xd: {  	[tilespmem:s5], [sflag:$0x2] =	stream.linear.gather [hbm4b:s4+s2], $0x8000, $0x38;
	[tilespmem:$0x10000] =	vst v63  }
0xe: {  	s8 =	sshll.u32 s8, $0xE;
	_ =	swait.ge [sflag:s6], $0x8000  }
0xf: {  	s7 =	sadd.s32 s7, s8;
	[sflag:s6] =	ssyncset.done $0x0  }
0x10: {  	s9 =	sadd.s32 $0xFFC90000, s12;
	s8 =	simm.s32 $0x3;
	[sflag:s6] =	ssyncadd.s32 $0xFFFF8000  }
0x11: {  	[hbm4b:s7+s2] =	stream.linear.scatter [tilespmem:s2], [sflag:$0x3], $0x8000, $0x38;
	[tilespmem:$0x10000] =	vst v63  }
0x12: {  	s9 =	sshrl.u32 s9, $0x3;
	_ =	swait.ge [sflag:s8], $0x8000  }
0x13: {  	s9 =	sadd.s32 s13, s9;
	s10 =	sadd.s32 $0x12000, s14;
	[sflag:s8] =	ssyncset.done $0x0  }
0x14: {  	s9 =	smov.u32 @p0 s10;
	s10 =	simm.s32 $0x2;
	[sflag:s8] =	ssyncadd.s32 $0xFFFF8000  }
0x15: {  	[tilespmem:s2], [sflag:$0x1] =	stream.linear.gather [hbm4b:s9+s2], $0x8000, $0x38;
	[tilespmem:$0x10000] =	vst v63  }
0x16: {  	_ =	swait.ge [sflag:s10], $0x8000  }
0x17: {  	s16 =	sadd.s32 $0xFFC98000, s12;
	[sflag:s10] =	ssyncset.done $0x0  }
0x18: {  	s12 =	simm.s32 $0x4;
	s11 =	sadd.s32 $0x1000, s7;
	[sflag:s10] =	ssyncadd.s32 $0xFFFF8000  }
0x19: {  	[hbm4b:s11+s2] =	stream.linear.scatter [tilespmem:s5], [sflag:$0x4], $0x8000, $0x38;
	[tilespmem:$0x10000] =	vst v63  }
0x1a: {  	s16 =	sshrl.u32 s16, $0x3;
	_ =	swait.ge [sflag:s12], $0x8000  }
0x1b: {  	s13 =	sadd.s32 s13, s16;
	s14 =	sadd.s32 $0x13000, s14;
	[sflag:s12] =	ssyncset.done $0x0  }
0x1c: {  	s13 =	smov.u32 @p0 s14;
	[sflag:s12] =	ssyncadd.s32 $0xFFFF8000  }
0x1d: {  	[tilespmem:s5], [sflag:$0x2] =	stream.linear.gather [hbm4b:s13+s2], $0x8000, $0x38;
	[tilespmem:$0x10000] =	vst v63  }
0x1e: {  	_ =	swait.ge [sflag:s6], $0x8000  }
0x1f: {  	s31 =	ssub.s32 $0x2, s15;
	[sflag:s6] =	ssyncset.done $0x0  }
0x20: {  	s17 =	sshrl.u32 s31, $0x1;
	s14 =	sadd.s32 $0x2000, s7;
	[sflag:s6] =	ssyncadd.s32 $0xFFFF8000  }
0x21: {  	[hbm4b:s14+s2] =	stream.linear.scatter [tilespmem:s2], [sflag:$0x3], $0x8000, $0x38;
	[tilespmem:$0x10000] =	vst v63  }
0x22: {  	s16 =	ssub.s32 s31, s17;
	_ =	swait.ge [sflag:s10], $0x8000  }
0x23: {  	s16 =	smax.u32 s16, $0x1;
	[sflag:s10] =	ssyncset.done $0x0  }
0x24: {  	s15 =	sadd.s32 $0x3000, s7;
	p0 =	sne.s32 s16, $0x1;
	[sflag:s10] =	ssyncadd.s32 $0xFFFF8000  }
0x25: {  	[hbm4b:s15+s2] =	stream.linear.scatter [tilespmem:s5], [sflag:$0x4], $0x8000, $0x38;
	[tilespmem:$0x10000] =	vst v63  }
.Ltmp0:
0x26: {  	_ =	swait.ge [sflag:s8], $0x8000;
	(pc) =	sbr.rel @!p0 .LBB2_2-.Ltmp0, $4  }
0x27: {  	[sflag:s8] =	ssyncset.done $0x0  }
0x28: {  	[sflag:s8] =	ssyncadd.s32 $0xFFFF8000  }
0x29: {  	_ =	swait.ge [sflag:s12], $0x8000  }
0x2a: {  	s16 =	sadd.s32 $0xFFFFFFFF, s16;
	[sflag:s12] =	ssyncset.done $0x0  }
.LBB2_1:
0x2b: {  	p0 =	sne.s32 s16, $0x1;
	s16 =	sadd.s32 $0xFFFFFFFF, s16;
	[sflag:s12] =	ssyncadd.s32 $0xFFFF8000  }
0x2c: {  	[tilespmem:s2], [sflag:$0x1] =	stream.linear.gather [hbm4b:s3+s2], $0x8000, $0x38;
	[tilespmem:$0x10000] =	vst v63  }
0x2d: {  	_ = 	snop  }
0x2e: {  	[tilespmem:s5], [sflag:$0x2] =	stream.linear.gather [hbm4b:s4+s2], $0x8000, $0x38;
	[tilespmem:$0x10000] =	vst v63  }
0x2f: {  	_ =	swait.ge [sflag:s6], $0x8000  }
0x30: {  	[sflag:s6] =	ssyncset.done $0x0  }
0x31: {  	[sflag:s6] =	ssyncadd.s32 $0xFFFF8000  }
0x32: {  	[hbm4b:s7+s2] =	stream.linear.scatter [tilespmem:s2], [sflag:$0x3], $0x8000, $0x38;
	[tilespmem:$0x10000] =	vst v63  }
0x33: {  	_ =	swait.ge [sflag:s8], $0x8000  }
0x34: {  	[sflag:s8] =	ssyncset.done $0x0  }
0x35: {  	[sflag:s8] =	ssyncadd.s32 $0xFFFF8000  }
0x36: {  	[tilespmem:s2], [sflag:$0x1] =	stream.linear.gather [hbm4b:s9+s2], $0x8000, $0x38;
	[tilespmem:$0x10000] =	vst v63  }
0x37: {  	_ =	swait.ge [sflag:s10], $0x8000  }
0x38: {  	[sflag:s10] =	ssyncset.done $0x0  }
0x39: {  	[sflag:s10] =	ssyncadd.s32 $0xFFFF8000  }
0x3a: {  	[hbm4b:s11+s2] =	stream.linear.scatter [tilespmem:s5], [sflag:$0x4], $0x8000, $0x38;
	[tilespmem:$0x10000] =	vst v63  }
0x3b: {  	_ =	swait.ge [sflag:s12], $0x8000  }
0x3c: {  	[sflag:s12] =	ssyncset.done $0x0  }
0x3d: {  	[sflag:s12] =	ssyncadd.s32 $0xFFFF8000  }
0x3e: {  	[tilespmem:s5], [sflag:$0x2] =	stream.linear.gather [hbm4b:s13+s2], $0x8000, $0x38;
	[tilespmem:$0x10000] =	vst v63  }
0x3f: {  	_ =	swait.ge [sflag:s6], $0x8000  }
0x40: {  	[sflag:s6] =	ssyncset.done $0x0  }
0x41: {  	[sflag:s6] =	ssyncadd.s32 $0xFFFF8000  }
0x42: {  	[hbm4b:s14+s2] =	stream.linear.scatter [tilespmem:s2], [sflag:$0x3], $0x8000, $0x38;
	[tilespmem:$0x10000] =	vst v63  }
0x43: {  	_ =	swait.ge [sflag:s10], $0x8000  }
0x44: {  	[sflag:s10] =	ssyncset.done $0x0  }
0x45: {  	[sflag:s10] =	ssyncadd.s32 $0xFFFF8000  }
0x46: {  	[hbm4b:s15+s2] =	stream.linear.scatter [tilespmem:s5], [sflag:$0x4], $0x8000, $0x38;
	[tilespmem:$0x10000] =	vst v63  }
.Ltmp1:
0x47: {  	_ =	swait.ge [sflag:s8], $0x8000;
	(pc) =	sbr.rel @p0 .LBB2_1-.Ltmp1, $4  }
0x48: {  	[sflag:s8] =	ssyncset.done $0x0  }
0x49: {  	[sflag:s8] =	ssyncadd.s32 $0xFFFF8000  }
0x4a: {  	_ =	swait.ge [sflag:s12], $0x8000  }
0x4b: {  	[sflag:s12] =	ssyncset.done $0x0  }
.LBB2_2:
0x4c: {  	[sflag:s12] =	ssyncadd.s32 $0xFFFF8000  }
0x4d: {  	_ =	sfence.sel $0x180000  }
0x4e: {  	[bflag:$0x0] =	sbarrier.arrive $0xFFFF  }
0x4f: {  	p0 =	sne.s32 s1, $0x0;
	_ =	strace $0x90000047  }
0x50: {  	s0 =	sadd.s32 @!p0 $0x100000, s0;
	[bflag:$0x2] =	sbarrier.arrive $0xFFFF  }
0x51: {  	[sflag:s0] =	ssyncadd.tile.s32 @!p0 $0x1;
	_ =	shalt  }
.Lfunc_end2:
_tile_overlayer_lowered:
.L_overlay_start_2:
0x52: {  	(tag) =	ssettag $0x2  }
0x53: {  	s0 =	rddreg [dreg:$0x0];
	s2 =	stileid.u32  }
0x54: {  	s1 =	rddreg [dreg:$0x1];
	p0 =	sne.s32 s2, $0x0  }
0x55: {  	s3 =	rddreg [dreg:$0x2];
	[bflag:$0x3] =	sbarrier.arrive $0xFFFF;
	s2 =	simm.s32 @!p0 $0x1C05  }
0x56: {  	[timem:s3], [sflag:s2] =	dma.local @!p0 [hbm:s0], s1  }
0x57: {  	s0 =	simm.s32 @!p0 $0x5  }
0x58: {  	_ =	swait.ge @!p0 [sflag:s0], s1  }
0x59: {  	s1 =	ssub.s32 @!p0 $0x0, s1;
	[sflag:s0] =	ssyncset.done @!p0 $0x0  }
0x5a: {  	[sflag:s0] =	ssyncadd.s32 @!p0 s1  }
0x5b: {  	[bflag:$0x3] =	sbarrier.arrive $0xFFFF  }
0x5c: {  	_ =	shalt  }

</sc_bundles>
